<compile_context>
chip_gen: v7x
topology: tpu7x:2x2x1
jax: 0.10.2.dev20260603
libtpu: 0.0.44.dev20260713+nightly
codegen_flags: <defaults>
</compile_context>

<pallas_src>
import functools

import jax
import jax.numpy as jnp
from jax import lax
from jax.experimental import pallas as pl
from jax.experimental.pallas import tpu as pltpu
from jax.experimental.pallas import tpu_sc as plsc

B, N, D = 8, 576, 64
NTOK = B * N
K = 8192
TM = 576
GRID = NTOK // TM

NC, NS = 2, 16
NW = NC * NS
BPW = NTOK // NW
HALF = BPW // 2


def _argmin_body(z_ref, emb_ref, idx_ref, embT2_ref, enorm_ref):
    step = pl.program_id(0)

    @pl.when(step == 0)
    def _():
        e2 = 2.0 * jnp.transpose(emb_ref[...])
        embT2_ref[...] = e2
        enorm_ref[...] = 0.25 * jnp.sum(e2 * e2, axis=0, keepdims=True)

    z = z_ref[...].reshape(TM, D)
    dot2 = jnp.dot(z, embT2_ref[...], preferred_element_type=jnp.float32)
    znorm = jnp.sum(z * z, axis=1, keepdims=True)
    d = (znorm + enorm_ref[...]) - dot2
    idx = jnp.argmin(d, axis=1).astype(jnp.int32)
    idx_ref[step, :] = idx


_argmin_call = pl.pallas_call(
    _argmin_body,
    grid=(GRID,),
    in_specs=[
        pl.BlockSpec((1, TM, D), lambda i: (i, 0, 0)),
        pl.BlockSpec((K, D), lambda i: (0, 0)),
    ],
    out_specs=pl.BlockSpec((GRID, TM), lambda i: (0, 0)),
    out_shape=jax.ShapeDtypeStruct((GRID, TM), jnp.int32),
    scratch_shapes=[pltpu.VMEM((D, K), jnp.float32),
                    pltpu.VMEM((1, K), jnp.float32)],
)


WPR = N // BPW


def _gather_body(table_hbm, idx_hbm, z_hbm, out_hbm, part_hbm,
                 idx_v, rows_v, z_v, acc_v, sem):
    wid = lax.axis_index("s") * NC + lax.axis_index("c")
    b = wid // WPR
    n0 = (wid % WPR) * BPW
    pltpu.sync_copy(idx_hbm.at[b, pl.ds(n0, BPW)], idx_v)
    c0 = pltpu.async_copy(table_hbm.at[idx_v.at[pl.ds(0, HALF)]],
                          rows_v.at[pl.ds(0, HALF)], sem)
    c1 = pltpu.async_copy(table_hbm.at[idx_v.at[pl.ds(HALF, HALF)]],
                          rows_v.at[pl.ds(HALF, HALF)], sem)
    pltpu.sync_copy(z_hbm.at[b, pl.ds(n0, BPW)], z_v)
    c0.wait()
    c1.wait()
    pltpu.sync_copy(rows_v, out_hbm.at[b, pl.ds(n0, BPW)])

    def _row(r, acc):
        for c in range(D // 16):
            q16 = rows_v[r, pl.ds(c * 16, 16)]
            z16 = z_v[r, pl.ds(c * 16, 16)]
            t = q16 - z16
            acc = acc + t * t
        return acc

    acc_v[...] = lax.fori_loop(0, BPW, _row, jnp.zeros((16,), jnp.float32))
    pltpu.sync_copy(acc_v, part_hbm.at[wid])


@functools.cache
def _gather_call():
    return pl.kernel(
        _gather_body,
        out_type=[
            jax.ShapeDtypeStruct((B, N, D), jnp.float32),
            jax.ShapeDtypeStruct((NW, 16), jnp.float32),
        ],
        mesh=plsc.VectorSubcoreMesh(core_axis_name="c", subcore_axis_name="s"),
        scratch_types=[
            pltpu.VMEM((BPW,), jnp.int32),
            pltpu.VMEM((BPW, D), jnp.float32),
            pltpu.VMEM((BPW, D), jnp.float32),
            pltpu.VMEM((16,), jnp.float32),
            pltpu.SemaphoreType.DMA,
        ],
        compiler_params=pltpu.CompilerParams(use_tc_tiling_on_sc=False),
    )


def kernel(z, emb_weight):
    z = z.astype(jnp.float32)
    q_indices = _argmin_call(z, emb_weight)
    quantized, parts = _gather_call()(emb_weight, q_indices, z)
    mse = jnp.sum(parts) / float(NTOK * D)
    loss = 1.25 * mse
    zero = jnp.zeros((), jnp.float32)
    return (z, emb_weight, quantized, q_indices, loss, mse, mse,
            zero, zero, zero)

# --- scband reference (transcript-rebuilt; emitter-appended) ---
"""Pipeline reference for scband-simple-vector-quantizer-7876970021322 (READ-ONLY COPY).

The authoritative reference and input builder live on the scoring server;
editing this copy changes nothing except your own understanding.
"""

import jax, jax.numpy as jnp
import numpy as np


def setup_inputs(seed: int = 0) -> dict:
    key = jax.random.key(seed)
    k1, k2 = jax.random.split(key)
    z = jax.random.normal(k1, (8, 576, 64), dtype=jnp.float32)
    # kaiming_uniform_ on [K, dim]: fan_in = dim, bound = sqrt(6/fan_in)
    bound = float(np.sqrt(6.0 / 64.0))
    emb_weight = jax.random.uniform(k2, (8192, 64), minval=-bound, maxval=bound, dtype=jnp.float32)
    return {"z": z, "emb_weight": emb_weight}


def reference(z, emb_weight):
    # SimpleVectorQuantizer.forward with l2_normalized=False, stochastic=False,
    # entropy_loss_weight=0.0, beta=0.25, codebook_loss_weight=1.0
    z = z.astype(jnp.float32)
    emb = emb_weight  # get_emb() without l2 normalization
    b, n, dim = z.shape
    z_flattened = z.reshape(-1, dim)  # (b n) d
    # d = ||z||^2 + ||e||^2 - 2 z.e
    d = (jnp.sum(z_flattened ** 2, axis=1, keepdims=True)
         + jnp.sum(emb ** 2, axis=1)
         - 2.0 * jnp.einsum('bd,dn->bn', z_flattened, emb.T))
    q_indices = jnp.argmin(d, axis=1)
    quantized = jnp.take(emb, q_indices, axis=0).reshape(z.shape)
    loss_commit = jnp.mean((jax.lax.stop_gradient(quantized) - z) ** 2)
    loss_codebook = jnp.mean((quantized - jax.lax.stop_gradient(z)) ** 2)
    loss_entropy = jnp.array(0.0, dtype=z.dtype)
    sample_entropy = jnp.array(0.0, dtype=z.dtype)
    avg_entropy = jnp.array(0.0, dtype=z.dtype)
    loss = 0.25 * loss_commit + 1.0 * loss_codebook + 0.0 * loss_entropy
    # straight-through estimator
    quantized_ste = z + jax.lax.stop_gradient(quantized - z)
    q_indices_out = q_indices.reshape(b, n)  # same_index_shape=True
    # mirrors return_dict keys: unregularized_z, emb, regularized_z, bottleneck_rep,
    # loss_q, loss_commit, loss_codebook, loss_entropy, per_sample_entropy, codebook_entropy
    return (z, emb, quantized_ste, q_indices_out, loss, loss_commit, loss_codebook,
            loss_entropy, sample_entropy, avg_entropy)

if __name__ == "__main__":
    import jax
    _d = setup_inputs()
    print(jax.jit(kernel)(*tuple(_d.values())))

</pallas_src>

<mosaic_0001>
#map = affine_map<(d0, d1) -> (0, 0)>
#map1 = affine_map<(d0, d1) -> (0, 0, 0)>
module attributes {stable_mosaic.version = 14 : i64} {
  func.func @_gather_body(%arg0: i32, %arg1: i32, %arg2: memref<8192x64xf32, #tpu.memory_space<hbm>>, %arg3: memref<8x576xi32, #tpu.memory_space<hbm>>, %arg4: memref<8x576x64xf32, #tpu.memory_space<hbm>>, %arg5: memref<8x576x64xf32, #tpu.memory_space<hbm>>, %arg6: memref<32x16xf32, #tpu.memory_space<hbm>>, %arg7: memref<144xi32, #tpu.memory_space<vmem>>, %arg8: memref<144x64xf32, #tpu.memory_space<vmem>>, %arg9: memref<144x64xf32, #tpu.memory_space<vmem>>, %arg10: memref<16xf32, #tpu.memory_space<vmem>>, %arg11: memref<!tpu.dma_semaphore, #tpu.memory_space<semaphore_mem>>) attributes {dimension_semantics = [#tpu.dimension_semantics<core_parallel>, #tpu.dimension_semantics<subcore_parallel>], iteration_bounds = array<i64: 2, 16>, scalar_prefetch = 0 : i64, scratch_operands = 5 : i64, tpu.core_type = #tpu.core_type<sc_vector_subcore>, window_params = [{transform_indices = #map}, {transform_indices = #map}, {transform_indices = #map1}, {transform_indices = #map1}, {transform_indices = #map}]} {
    %mul3A = arith.constant 2 : i32
    %mul3A_0 = arith.muli %arg1, %mul3A : i32
    %add3A = arith.addi %mul3A_0, %arg0 : i32
    %jit3A = arith.constant 4 : i32
    %div3A = arith.divsi %add3A, %jit3A : i32
    %sign3A = arith.constant 0 : i32
    %sign3A_1 = arith.cmpi sgt, %add3A, %sign3A : i32
    %sign3A_2 = arith.extui %sign3A_1 : i1 to i32
    %sign3A_3 = arith.constant 0 : i32
    %sign3A_4 = arith.cmpi slt, %add3A, %sign3A_3 : i32
    %sign3A_5 = arith.extui %sign3A_4 : i1 to i32
    %sign3A_6 = arith.subi %sign3A_2, %sign3A_5 : i32
    %sign3A_7 = arith.constant 0 : i32
    %sign3A_8 = arith.cmpi sgt, %jit3A, %sign3A_7 : i32
    %sign3A_9 = arith.extui %sign3A_8 : i1 to i32
    %sign3A_10 = arith.constant 0 : i32
    %sign3A_11 = arith.cmpi slt, %jit3A, %sign3A_10 : i32
    %sign3A_12 = arith.extui %sign3A_11 : i1 to i32
    %sign3A_13 = arith.subi %sign3A_9, %sign3A_12 : i32
    %ne3A = arith.cmpi ne, %sign3A_6, %sign3A_13 : i32
    %rem3A = arith.remsi %add3A, %jit3A : i32
    %ne3A_14 = arith.constant 0 : i32
    %ne3A_15 = arith.cmpi ne, %rem3A, %ne3A_14 : i32
    %and3A = arith.andi %ne3A, %ne3A_15 : i1
    %sub3A = arith.constant 1 : i32
    %sub3A_16 = arith.subi %div3A, %sub3A : i32
    %select_n3A = arith.select %and3A, %sub3A_16, %div3A : i32
    %jit3A_17 = arith.constant 4 : i32
    %eq3A = arith.constant 0 : i32
    %eq3A_18 = arith.cmpi eq, %jit3A_17, %eq3A : i32
    %jit3A_19 = arith.constant 1 : i32
    %select_n3A_20 = arith.select %eq3A_18, %jit3A_19, %jit3A_17 : i32
    %rem3A_21 = arith.remsi %add3A, %select_n3A_20 : i32
    %ne3A_22 = arith.constant 0 : i32
    %ne3A_23 = arith.cmpi ne, %rem3A_21, %ne3A_22 : i32
    %lt3A = arith.constant 0 : i32
    %lt3A_24 = arith.cmpi slt, %rem3A_21, %lt3A : i32
    %lt3A_25 = arith.constant 0 : i32
    %lt3A_26 = arith.cmpi slt, %select_n3A_20, %lt3A_25 : i32
    %ne3A_27 = arith.xori %lt3A_24, %lt3A_26 : i1
    %and3A_28 = arith.andi %ne3A_27, %ne3A_23 : i1
    %add3A_29 = arith.addi %rem3A_21, %select_n3A_20 : i32
    %select_n3A_30 = arith.select %and3A_28, %add3A_29, %rem3A_21 : i32
    %mul3A_31 = arith.constant 144 : i32
    %mul3A_32 = arith.muli %select_n3A_30, %mul3A_31 : i32
    "tpu.region"() ({
      %run_scoped3A = tpu.sem_alloc : memref<!tpu.dma_semaphore, #tpu.memory_space<semaphore_mem>>
      %dma_start3A_72 = tpu.memref_slice %arg3[%select_n3A, %mul3A_32] : memref<8x576xi32, #tpu.memory_space<hbm>> -> memref<1x144xi32, #tpu.memory_space<hbm>>
      %dma_start3A_73 = tpu.memref_squeeze %dma_start3A_72 : memref<1x144xi32, #tpu.memory_space<hbm>> -> memref<144xi32, #tpu.memory_space<hbm>>
      %dma_start3A_74 = tpu.memref_slice %arg3[%select_n3A, %mul3A_32] : memref<8x576xi32, #tpu.memory_space<hbm>> -> memref<1x144xi32, #tpu.memory_space<hbm>>
      %dma_start3A_75 = tpu.memref_squeeze %dma_start3A_74 : memref<1x144xi32, #tpu.memory_space<hbm>> -> memref<144xi32, #tpu.memory_space<hbm>>
      tpu.enqueue_dma source(%dma_start3A_75 : memref<144xi32, #tpu.memory_space<hbm>>) target(%arg7 : memref<144xi32, #tpu.memory_space<vmem>>) target_semaphore(%run_scoped3A : memref<!tpu.dma_semaphore, #tpu.memory_space<semaphore_mem>>)
      %dma_wait3A_76 = tpu.memref_slice %arg3[%select_n3A, %mul3A_32] : memref<8x576xi32, #tpu.memory_space<hbm>> -> memref<1x144xi32, #tpu.memory_space<hbm>>
      %dma_wait3A_77 = tpu.memref_squeeze %dma_wait3A_76 : memref<1x144xi32, #tpu.memory_space<hbm>> -> memref<144xi32, #tpu.memory_space<hbm>>
      %dma_wait3A_78 = tpu.memref_slice %arg3[%select_n3A, %mul3A_32] : memref<8x576xi32, #tpu.memory_space<hbm>> -> memref<1x144xi32, #tpu.memory_space<hbm>>
      %dma_wait3A_79 = tpu.memref_squeeze %dma_wait3A_78 : memref<1x144xi32, #tpu.memory_space<hbm>> -> memref<144xi32, #tpu.memory_space<hbm>>
      tpu.wait_dma2 semaphore(%run_scoped3A : memref<!tpu.dma_semaphore, #tpu.memory_space<semaphore_mem>>) src(%dma_wait3A_79 : memref<144xi32, #tpu.memory_space<hbm>>) dst(%arg7 : memref<144xi32, #tpu.memory_space<vmem>>)
      tpu.yield
    }) : () -> ()
    %dma_start3A = arith.constant 0 : i32
    %dma_start3A_33 = arith.constant 0 : i32
    %dma_start3A_34 = tpu.memref_slice %arg8[%dma_start3A, %dma_start3A_33] : memref<144x64xf32, #tpu.memory_space<vmem>> -> memref<72x64xf32, #tpu.memory_space<vmem>>
    %dma_start3A_35 = arith.constant 0 : i32
    %dma_start3A_36 = tpu.memref_slice %arg7[%dma_start3A_35] : memref<144xi32, #tpu.memory_space<vmem>> -> memref<72xi32, #tpu.memory_space<vmem>>
    %dma_start3A_37 = arith.constant 0 : i32
    %dma_start3A_38 = arith.constant 0 : i32
    %dma_start3A_39 = tpu.memref_slice %arg2[%dma_start3A_37, %dma_start3A_38] : memref<8192x64xf32, #tpu.memory_space<hbm>> -> memref<8192x64xf32, #tpu.memory_space<hbm>>
    tpu.enqueue_indirect_dma source(%dma_start3A_39 : memref<8192x64xf32, #tpu.memory_space<hbm>>) target(%dma_start3A_34 : memref<72x64xf32, #tpu.memory_space<vmem>>) offsets(%dma_start3A_36 : memref<72xi32, #tpu.memory_space<vmem>>) semaphore(%arg11 : memref<!tpu.dma_semaphore, #tpu.memory_space<semaphore_mem>>)
    %dma_start3A_40 = arith.constant 72 : i32
    %dma_start3A_41 = arith.constant 0 : i32
    %dma_start3A_42 = tpu.memref_slice %arg8[%dma_start3A_40, %dma_start3A_41] : memref<144x64xf32, #tpu.memory_space<vmem>> -> memref<72x64xf32, #tpu.memory_space<vmem>>
    %dma_start3A_43 = arith.constant 72 : i32
    %dma_start3A_44 = tpu.memref_slice %arg7[%dma_start3A_43] : memref<144xi32, #tpu.memory_space<vmem>> -> memref<72xi32, #tpu.memory_space<vmem>>
    %dma_start3A_45 = arith.constant 0 : i32
    %dma_start3A_46 = arith.constant 0 : i32
    %dma_start3A_47 = tpu.memref_slice %arg2[%dma_start3A_45, %dma_start3A_46] : memref<8192x64xf32, #tpu.memory_space<hbm>> -> memref<8192x64xf32, #tpu.memory_space<hbm>>
    tpu.enqueue_indirect_dma source(%dma_start3A_47 : memref<8192x64xf32, #tpu.memory_space<hbm>>) target(%dma_start3A_42 : memref<72x64xf32, #tpu.memory_space<vmem>>) offsets(%dma_start3A_44 : memref<72xi32, #tpu.memory_space<vmem>>) semaphore(%arg11 : memref<!tpu.dma_semaphore, #tpu.memory_space<semaphore_mem>>)
    "tpu.region"() ({
      %run_scoped3A = tpu.sem_alloc : memref<!tpu.dma_semaphore, #tpu.memory_space<semaphore_mem>>
      %dma_start3A_72 = arith.constant 0 : i32
      %dma_start3A_73 = tpu.memref_slice %arg4[%select_n3A, %mul3A_32, %dma_start3A_72] : memref<8x576x64xf32, #tpu.memory_space<hbm>> -> memref<1x144x64xf32, #tpu.memory_space<hbm>>
      %dma_start3A_74 = tpu.memref_squeeze %dma_start3A_73 : memref<1x144x64xf32, #tpu.memory_space<hbm>> -> memref<144x64xf32, #tpu.memory_space<hbm>>
      %dma_start3A_75 = arith.constant 0 : i32
      %dma_start3A_76 = tpu.memref_slice %arg4[%select_n3A, %mul3A_32, %dma_start3A_75] : memref<8x576x64xf32, #tpu.memory_space<hbm>> -> memref<1x144x64xf32, #tpu.memory_space<hbm>>
      %dma_start3A_77 = tpu.memref_squeeze %dma_start3A_76 : memref<1x144x64xf32, #tpu.memory_space<hbm>> -> memref<144x64xf32, #tpu.memory_space<hbm>>
      tpu.enqueue_dma source(%dma_start3A_77 : memref<144x64xf32, #tpu.memory_space<hbm>>) target(%arg9 : memref<144x64xf32, #tpu.memory_space<vmem>>) target_semaphore(%run_scoped3A : memref<!tpu.dma_semaphore, #tpu.memory_space<semaphore_mem>>)
      %dma_wait3A_78 = arith.constant 0 : i32
      %dma_wait3A_79 = tpu.memref_slice %arg4[%select_n3A, %mul3A_32, %dma_wait3A_78] : memref<8x576x64xf32, #tpu.memory_space<hbm>> -> memref<1x144x64xf32, #tpu.memory_space<hbm>>
      %dma_wait3A_80 = tpu.memref_squeeze %dma_wait3A_79 : memref<1x144x64xf32, #tpu.memory_space<hbm>> -> memref<144x64xf32, #tpu.memory_space<hbm>>
      %dma_wait3A_81 = arith.constant 0 : i32
      %dma_wait3A_82 = tpu.memref_slice %arg4[%select_n3A, %mul3A_32, %dma_wait3A_81] : memref<8x576x64xf32, #tpu.memory_space<hbm>> -> memref<1x144x64xf32, #tpu.memory_space<hbm>>
      %dma_wait3A_83 = tpu.memref_squeeze %dma_wait3A_82 : memref<1x144x64xf32, #tpu.memory_space<hbm>> -> memref<144x64xf32, #tpu.memory_space<hbm>>
      tpu.wait_dma2 semaphore(%run_scoped3A : memref<!tpu.dma_semaphore, #tpu.memory_space<semaphore_mem>>) src(%dma_wait3A_83 : memref<144x64xf32, #tpu.memory_space<hbm>>) dst(%arg9 : memref<144x64xf32, #tpu.memory_space<vmem>>)
      tpu.yield
    }) : () -> ()
    %dma_wait3A = arith.constant 0 : i32
    %dma_wait3A_48 = arith.constant 0 : i32
    %dma_wait3A_49 = tpu.memref_slice %arg8[%dma_wait3A, %dma_wait3A_48] : memref<144x64xf32, #tpu.memory_space<vmem>> -> memref<72x64xf32, #tpu.memory_space<vmem>>
    %dma_wait3A_50 = arith.constant 0 : i32
    %dma_wait3A_51 = tpu.memref_slice %arg7[%dma_wait3A_50] : memref<144xi32, #tpu.memory_space<vmem>> -> memref<72xi32, #tpu.memory_space<vmem>>
    %dma_wait3A_52 = arith.constant 0 : i32
    %dma_wait3A_53 = arith.constant 0 : i32
    %dma_wait3A_54 = tpu.memref_slice %arg2[%dma_wait3A_52, %dma_wait3A_53] : memref<8192x64xf32, #tpu.memory_space<hbm>> -> memref<8192x64xf32, #tpu.memory_space<hbm>>
    tpu.wait_indirect_dma semaphore(%arg11 : memref<!tpu.dma_semaphore, #tpu.memory_space<semaphore_mem>>) src(%dma_wait3A_54 : memref<8192x64xf32, #tpu.memory_space<hbm>>) dst(%dma_wait3A_49 : memref<72x64xf32, #tpu.memory_space<vmem>>)
    %dma_wait3A_55 = arith.constant 72 : i32
    %dma_wait3A_56 = arith.constant 0 : i32
    %dma_wait3A_57 = tpu.memref_slice %arg8[%dma_wait3A_55, %dma_wait3A_56] : memref<144x64xf32, #tpu.memory_space<vmem>> -> memref<72x64xf32, #tpu.memory_space<vmem>>
    %dma_wait3A_58 = arith.constant 72 : i32
    %dma_wait3A_59 = tpu.memref_slice %arg7[%dma_wait3A_58] : memref<144xi32, #tpu.memory_space<vmem>> -> memref<72xi32, #tpu.memory_space<vmem>>
    %dma_wait3A_60 = arith.constant 0 : i32
    %dma_wait3A_61 = arith.constant 0 : i32
    %dma_wait3A_62 = tpu.memref_slice %arg2[%dma_wait3A_60, %dma_wait3A_61] : memref<8192x64xf32, #tpu.memory_space<hbm>> -> memref<8192x64xf32, #tpu.memory_space<hbm>>
    tpu.wait_indirect_dma semaphore(%arg11 : memref<!tpu.dma_semaphore, #tpu.memory_space<semaphore_mem>>) src(%dma_wait3A_62 : memref<8192x64xf32, #tpu.memory_space<hbm>>) dst(%dma_wait3A_57 : memref<72x64xf32, #tpu.memory_space<vmem>>)
    "tpu.region"() ({
      %run_scoped3A = tpu.sem_alloc : memref<!tpu.dma_semaphore, #tpu.memory_space<semaphore_mem>>
      %dma_start3A_72 = arith.constant 0 : i32
      %dma_start3A_73 = tpu.memref_slice %arg5[%select_n3A, %mul3A_32, %dma_start3A_72] : memref<8x576x64xf32, #tpu.memory_space<hbm>> -> memref<1x144x64xf32, #tpu.memory_space<hbm>>
      %dma_start3A_74 = tpu.memref_squeeze %dma_start3A_73 : memref<1x144x64xf32, #tpu.memory_space<hbm>> -> memref<144x64xf32, #tpu.memory_space<hbm>>
      %dma_start3A_75 = arith.constant 0 : i32
      %dma_start3A_76 = tpu.memref_slice %arg5[%select_n3A, %mul3A_32, %dma_start3A_75] : memref<8x576x64xf32, #tpu.memory_space<hbm>> -> memref<1x144x64xf32, #tpu.memory_space<hbm>>
      %dma_start3A_77 = tpu.memref_squeeze %dma_start3A_76 : memref<1x144x64xf32, #tpu.memory_space<hbm>> -> memref<144x64xf32, #tpu.memory_space<hbm>>
      tpu.enqueue_dma source(%arg8 : memref<144x64xf32, #tpu.memory_space<vmem>>) target(%dma_start3A_77 : memref<144x64xf32, #tpu.memory_space<hbm>>) target_semaphore(%run_scoped3A : memref<!tpu.dma_semaphore, #tpu.memory_space<semaphore_mem>>)
      %dma_wait3A_78 = arith.constant 0 : i32
      %dma_wait3A_79 = tpu.memref_slice %arg5[%select_n3A, %mul3A_32, %dma_wait3A_78] : memref<8x576x64xf32, #tpu.memory_space<hbm>> -> memref<1x144x64xf32, #tpu.memory_space<hbm>>
      %dma_wait3A_80 = tpu.memref_squeeze %dma_wait3A_79 : memref<1x144x64xf32, #tpu.memory_space<hbm>> -> memref<144x64xf32, #tpu.memory_space<hbm>>
      %dma_wait3A_81 = arith.constant 0 : i32
      %dma_wait3A_82 = tpu.memref_slice %arg5[%select_n3A, %mul3A_32, %dma_wait3A_81] : memref<8x576x64xf32, #tpu.memory_space<hbm>> -> memref<1x144x64xf32, #tpu.memory_space<hbm>>
      %dma_wait3A_83 = tpu.memref_squeeze %dma_wait3A_82 : memref<1x144x64xf32, #tpu.memory_space<hbm>> -> memref<144x64xf32, #tpu.memory_space<hbm>>
      tpu.wait_dma2 semaphore(%run_scoped3A : memref<!tpu.dma_semaphore, #tpu.memory_space<semaphore_mem>>) src(%arg8 : memref<144x64xf32, #tpu.memory_space<vmem>>) dst(%dma_wait3A_83 : memref<144x64xf32, #tpu.memory_space<hbm>>)
      tpu.yield
    }) : () -> ()
    %broadcast_in_dim3A = arith.constant 0.000000e+00 : f32
    %broadcast_in_dim3A_63 = vector.broadcast %broadcast_in_dim3A : f32 to vector<16xf32>
    %scan3A = arith.constant 0 : i32
    %scan3A_64 = arith.constant 144 : i32
    %scan3A_65 = arith.addi %scan3A, %scan3A_64 : i32
    %scan3A_66 = arith.constant 1 : i32
    %scan3A_67 = scf.for %scan3A_72 = %scan3A to %scan3A_65 step %scan3A_66 iter_args(%scan3A_73 = %broadcast_in_dim3A_63) -> (vector<16xf32>)  : i32 {
      %get3A = arith.index_cast %scan3A_72 : i32 to index
      %get3A_74 = arith.constant 0 : index
      %get3A_75 = tpu.vector_load %arg8[%get3A, %get3A_74] {strides = array<i32>} : memref<144x64xf32, #tpu.memory_space<vmem>>, vector<1x16xf32>,
      %get3A_76 = vector.shape_cast %get3A_75 : vector<1x16xf32> to vector<16xf32>
      %get3A_77 = arith.index_cast %scan3A_72 : i32 to index
      %get3A_78 = arith.constant 0 : index
      %get3A_79 = tpu.vector_load %arg9[%get3A_77, %get3A_78] {strides = array<i32>} : memref<144x64xf32, #tpu.memory_space<vmem>>, vector<1x16xf32>,
      %get3A_80 = vector.shape_cast %get3A_79 : vector<1x16xf32> to vector<16xf32>
      %sub3A_81 = arith.subf %get3A_76, %get3A_80 : vector<16xf32>
      %mul3A_82 = arith.mulf %sub3A_81, %sub3A_81 : vector<16xf32>
      %add3A_83 = arith.addf %scan3A_73, %mul3A_82 : vector<16xf32>
      %get3A_84 = arith.index_cast %scan3A_72 : i32 to index
      %get3A_85 = arith.constant 16 : index
      %get3A_86 = tpu.vector_load %arg8[%get3A_84, %get3A_85] {strides = array<i32>} : memref<144x64xf32, #tpu.memory_space<vmem>>, vector<1x16xf32>,
      %get3A_87 = vector.shape_cast %get3A_86 : vector<1x16xf32> to vector<16xf32>
      %get3A_88 = arith.index_cast %scan3A_72 : i32 to index
      %get3A_89 = arith.constant 16 : index
      %get3A_90 = tpu.vector_load %arg9[%get3A_88, %get3A_89] {strides = array<i32>} : memref<144x64xf32, #tpu.memory_space<vmem>>, vector<1x16xf32>,
      %get3A_91 = vector.shape_cast %get3A_90 : vector<1x16xf32> to vector<16xf32>
      %sub3A_92 = arith.subf %get3A_87, %get3A_91 : vector<16xf32>
      %mul3A_93 = arith.mulf %sub3A_92, %sub3A_92 : vector<16xf32>
      %add3A_94 = arith.addf %add3A_83, %mul3A_93 : vector<16xf32>
      %get3A_95 = arith.index_cast %scan3A_72 : i32 to index
      %get3A_96 = arith.constant 32 : index
      %get3A_97 = tpu.vector_load %arg8[%get3A_95, %get3A_96] {strides = array<i32>} : memref<144x64xf32, #tpu.memory_space<vmem>>, vector<1x16xf32>,
      %get3A_98 = vector.shape_cast %get3A_97 : vector<1x16xf32> to vector<16xf32>
      %get3A_99 = arith.index_cast %scan3A_72 : i32 to index
      %get3A_100 = arith.constant 32 : index
      %get3A_101 = tpu.vector_load %arg9[%get3A_99, %get3A_100] {strides = array<i32>} : memref<144x64xf32, #tpu.memory_space<vmem>>, vector<1x16xf32>,
      %get3A_102 = vector.shape_cast %get3A_101 : vector<1x16xf32> to vector<16xf32>
      %sub3A_103 = arith.subf %get3A_98, %get3A_102 : vector<16xf32>
      %mul3A_104 = arith.mulf %sub3A_103, %sub3A_103 : vector<16xf32>
      %add3A_105 = arith.addf %add3A_94, %mul3A_104 : vector<16xf32>
      %get3A_106 = arith.index_cast %scan3A_72 : i32 to index
      %get3A_107 = arith.constant 48 : index
      %get3A_108 = tpu.vector_load %arg8[%get3A_106, %get3A_107] {strides = array<i32>} : memref<144x64xf32, #tpu.memory_space<vmem>>, vector<1x16xf32>,
      %get3A_109 = vector.shape_cast %get3A_108 : vector<1x16xf32> to vector<16xf32>
      %get3A_110 = arith.index_cast %scan3A_72 : i32 to index
      %get3A_111 = arith.constant 48 : index
      %get3A_112 = tpu.vector_load %arg9[%get3A_110, %get3A_111] {strides = array<i32>} : memref<144x64xf32, #tpu.memory_space<vmem>>, vector<1x16xf32>,
      %get3A_113 = vector.shape_cast %get3A_112 : vector<1x16xf32> to vector<16xf32>
      %sub3A_114 = arith.subf %get3A_109, %get3A_113 : vector<16xf32>
      %mul3A_115 = arith.mulf %sub3A_114, %sub3A_114 : vector<16xf32>
      %add3A_116 = arith.addf %add3A_105, %mul3A_115 : vector<16xf32>
      scf.yield %add3A_116 : vector<16xf32>
    }
    %scan3A_68 = arith.constant 144 : i32
    %swap3A = arith.constant 0 : index
    %swap3A_69 = tpu.vector_load %arg10[%swap3A] {strides = array<i32>} : memref<16xf32, #tpu.memory_space<vmem>>, vector<16xf32>,
    %swap3A_70 = vector.shape_cast %swap3A_69 : vector<16xf32> to vector<16xf32>
    %swap3A_71 = vector.shape_cast %scan3A_67 : vector<16xf32> to vector<16xf32>
    tpu.vector_store %arg10[%swap3A], %swap3A_71 {strides = array<i32>} : memref<16xf32, #tpu.memory_space<vmem>>, vector<16xf32>,
    "tpu.region"() ({
      %run_scoped3A = tpu.sem_alloc : memref<!tpu.dma_semaphore, #tpu.memory_space<semaphore_mem>>
      %dma_start3A_72 = arith.constant 0 : i32
      %dma_start3A_73 = tpu.memref_slice %arg6[%add3A, %dma_start3A_72] : memref<32x16xf32, #tpu.memory_space<hbm>> -> memref<1x16xf32, #tpu.memory_space<hbm>>
      %dma_start3A_74 = tpu.memref_squeeze %dma_start3A_73 : memref<1x16xf32, #tpu.memory_space<hbm>> -> memref<16xf32, #tpu.memory_space<hbm>>
      %dma_start3A_75 = arith.constant 0 : i32
      %dma_start3A_76 = tpu.memref_slice %arg6[%add3A, %dma_start3A_75] : memref<32x16xf32, #tpu.memory_space<hbm>> -> memref<1x16xf32, #tpu.memory_space<hbm>>
      %dma_start3A_77 = tpu.memref_squeeze %dma_start3A_76 : memref<1x16xf32, #tpu.memory_space<hbm>> -> memref<16xf32, #tpu.memory_space<hbm>>
      tpu.enqueue_dma source(%arg10 : memref<16xf32, #tpu.memory_space<vmem>>) target(%dma_start3A_77 : memref<16xf32, #tpu.memory_space<hbm>>) target_semaphore(%run_scoped3A : memref<!tpu.dma_semaphore, #tpu.memory_space<semaphore_mem>>)
      %dma_wait3A_78 = arith.constant 0 : i32
      %dma_wait3A_79 = tpu.memref_slice %arg6[%add3A, %dma_wait3A_78] : memref<32x16xf32, #tpu.memory_space<hbm>> -> memref<1x16xf32, #tpu.memory_space<hbm>>
      %dma_wait3A_80 = tpu.memref_squeeze %dma_wait3A_79 : memref<1x16xf32, #tpu.memory_space<hbm>> -> memref<16xf32, #tpu.memory_space<hbm>>
      %dma_wait3A_81 = arith.constant 0 : i32
      %dma_wait3A_82 = tpu.memref_slice %arg6[%add3A, %dma_wait3A_81] : memref<32x16xf32, #tpu.memory_space<hbm>> -> memref<1x16xf32, #tpu.memory_space<hbm>>
      %dma_wait3A_83 = tpu.memref_squeeze %dma_wait3A_82 : memref<1x16xf32, #tpu.memory_space<hbm>> -> memref<16xf32, #tpu.memory_space<hbm>>
      tpu.wait_dma2 semaphore(%run_scoped3A : memref<!tpu.dma_semaphore, #tpu.memory_space<semaphore_mem>>) src(%arg10 : memref<16xf32, #tpu.memory_space<vmem>>) dst(%dma_wait3A_83 : memref<16xf32, #tpu.memory_space<hbm>>)
      tpu.yield
    }) : () -> ()
    return
  }
}

module attributes {stable_mosaic.version = 14 : i64} {
  func.func @_argmin_body(%arg0: i32, %arg1: memref<1x576x64xf32, #tpu.memory_space<vmem>>, %arg2: memref<8192x64xf32, #tpu.memory_space<vmem>>, %arg3: memref<8x576xi32, #tpu.memory_space<vmem>>, %arg4: memref<64x8192xf32, #tpu.memory_space<vmem>>, %arg5: memref<1x8192xf32, #tpu.memory_space<vmem>>) attributes {dimension_semantics = [#tpu.dimension_semantics<arbitrary>], iteration_bounds = array<i64: 8>, scalar_prefetch = 0 : i64, scratch_operands = 2 : i64, tpu.core_type = #tpu.core_type<tc>, window_params = [{transform_indices = @transform_0, window_bounds = array<i64: 1, 576, 64>}, {pipeline_mode = #tpu.pipeline_mode<synchronous>, transform_indices = @transform_1, window_bounds = array<i64: 8192, 64>}, {pipeline_mode = #tpu.pipeline_mode<synchronous>, transform_indices = @transform_2, window_bounds = array<i64: 8, 576>}]} {
    %eq3A = arith.constant 0 : i32
    %eq3A_0 = arith.cmpi eq, %arg0, %eq3A : i32
    %convert_element_type3A = arith.extui %eq3A_0 : i1 to i32
    %cond3A = arith.constant 0 : i32
    %cond3A_1 = arith.cmpi ne, %convert_element_type3A, %cond3A : i32
    scf.if %cond3A_1 {
      %get3A_19 = arith.constant 0 : index
      %get3A_20 = arith.constant 0 : index
      %get3A_21 = vector.load %arg2[%get3A_19, %get3A_20] : memref<8192x64xf32, #tpu.memory_space<vmem>>, vector<8192x64xf32>
      %transpose3A = tpu.transpose %get3A_21, [1, 0] : vector<8192x64xf32> -> vector<64x8192xf32>
      %mul3A_22 = arith.constant 2.000000e+00 : f32
      %mul3A_23 = vector.broadcast %mul3A_22 : f32 to vector<64x8192xf32>
      %mul3A_24 = arith.mulf %mul3A_23, %transpose3A : vector<64x8192xf32>
      %swap3A_25 = arith.constant 0 : index
      %swap3A_26 = arith.constant 0 : index
      %swap3A_27 = vector.load %arg4[%swap3A_25, %swap3A_26] : memref<64x8192xf32, #tpu.memory_space<vmem>>, vector<64x8192xf32>
      tpu.vector_store %arg4[%swap3A_25, %swap3A_26], %mul3A_24 {strides = array<i32>} : memref<64x8192xf32, #tpu.memory_space<vmem>>, vector<64x8192xf32>,
      %mul3A_28 = arith.mulf %mul3A_24, %mul3A_24 : vector<64x8192xf32>
      %reduce_sum3A_29 = arith.constant dense<0.000000e+00> : vector<8192xf32>
      %reduce_sum3A_30 = vector.multi_reduction <add>, %mul3A_28, %reduce_sum3A_29 [0] : vector<64x8192xf32> to vector<8192xf32>
      %broadcast_in_dim3A_31 = vector.shape_cast %reduce_sum3A_30 : vector<8192xf32> to vector<1x8192xf32>
      %mul3A_32 = arith.constant 2.500000e-01 : f32
      %mul3A_33 = vector.broadcast %mul3A_32 : f32 to vector<1x8192xf32>
      %mul3A_34 = arith.mulf %mul3A_33, %broadcast_in_dim3A_31 : vector<1x8192xf32>
      %swap3A_35 = arith.constant 0 : index
      %swap3A_36 = arith.constant 0 : index
      %swap3A_37 = vector.load %arg5[%swap3A_35, %swap3A_36] : memref<1x8192xf32, #tpu.memory_space<vmem>>, vector<1x8192xf32>
      tpu.vector_store %arg5[%swap3A_35, %swap3A_36], %mul3A_34 {strides = array<i32>} : memref<1x8192xf32, #tpu.memory_space<vmem>>, vector<1x8192xf32>,
    } else {
    }
    %get3A = arith.constant 0 : index
    %get3A_2 = arith.constant 0 : index
    %get3A_3 = arith.constant 0 : index
    %get3A_4 = vector.load %arg1[%get3A, %get3A_2, %get3A_3] : memref<1x576x64xf32, #tpu.memory_space<vmem>>, vector<1x576x64xf32>
    %reshape3A = vector.shape_cast %get3A_4 : vector<1x576x64xf32> to vector<576x64xf32>
    %get3A_5 = arith.constant 0 : index
    %get3A_6 = arith.constant 0 : index
    %get3A_7 = vector.load %arg4[%get3A_5, %get3A_6] : memref<64x8192xf32, #tpu.memory_space<vmem>>, vector<64x8192xf32>
    %dot_general3A = arith.constant dense<0.000000e+00> : vector<576x8192xf32>
    %dot_general3A_8 = tpu.matmul %reshape3A, %get3A_7, %dot_general3A {dimension_numbers = #tpu.dot_dimension_numbers<[1], [0], [0], [1], [0, 0, 1, 1], [], []>, transpose_lhs_hint = false} : vector<576x64xf32>, vector<64x8192xf32>, vector<576x8192xf32> -> vector<576x8192xf32>
    %mul3A = arith.mulf %reshape3A, %reshape3A : vector<576x64xf32>
    %reduce_sum3A = arith.constant dense<0.000000e+00> : vector<576xf32>
    %reduce_sum3A_9 = vector.multi_reduction <add>, %mul3A, %reduce_sum3A [1] : vector<576x64xf32> to vector<576xf32>
    %broadcast_in_dim3A = vector.shape_cast %reduce_sum3A_9 : vector<576xf32> to vector<576x1xf32>
    %get3A_10 = arith.constant 0 : index
    %get3A_11 = arith.constant 0 : index
    %get3A_12 = vector.load %arg5[%get3A_10, %get3A_11] : memref<1x8192xf32, #tpu.memory_space<vmem>>, vector<1x8192xf32>
    %add3A = vector.broadcast %broadcast_in_dim3A : vector<576x1xf32> to vector<576x8192xf32>
    %add3A_13 = vector.broadcast %get3A_12 : vector<1x8192xf32> to vector<576x8192xf32>
    %add3A_14 = arith.addf %add3A, %add3A_13 : vector<576x8192xf32>
    %sub3A = arith.subf %add3A_14, %dot_general3A_8 : vector<576x8192xf32>
    %argmin3A = tpu.reduce_index %sub3A {axis = 1 : i32, kind = #tpu.reduction_kind<arg_min>} : vector<576x8192xf32> -> vector<576xi32>
    %swap3A = arith.index_cast %arg0 : i32 to index
    %swap3A_15 = arith.constant 0 : index
    %swap3A_16 = vector.load %arg3[%swap3A, %swap3A_15] : memref<8x576xi32, #tpu.memory_space<vmem>>, vector<1x576xi32>
    %swap3A_17 = vector.shape_cast %swap3A_16 : vector<1x576xi32> to vector<576xi32>
    %swap3A_18 = vector.shape_cast %argmin3A : vector<576xi32> to vector<1x576xi32>
    tpu.vector_store %arg3[%swap3A, %swap3A_15], %swap3A_18 {strides = array<i32>} : memref<8x576xi32, #tpu.memory_space<vmem>>, vector<1x576xi32>,
    return
  }
  func.func @transform_0(%arg0: i32) -> (i32, i32, i32) {
    %c0_i32 = arith.constant 0 : i32
    %c0_i32_0 = arith.constant 0 : i32
    %c0_i32_1 = arith.constant 0 : i32
    return %arg0, %c0_i32, %c0_i32_0 : i32, i32, i32
  }
  func.func @transform_1(%arg0: i32) -> (i32, i32) {
    %c0_i32 = arith.constant 0 : i32
    %c0_i32_0 = arith.constant 0 : i32
    %c0_i32_1 = arith.constant 0 : i32
    return %c0_i32, %c0_i32_0 : i32, i32
  }
  func.func @transform_2(%arg0: i32) -> (i32, i32) {
    %c0_i32 = arith.constant 0 : i32
    %c0_i32_0 = arith.constant 0 : i32
    %c0_i32_1 = arith.constant 0 : i32
    return %c0_i32, %c0_i32_0 : i32, i32
  }
}

</mosaic_0001>

<sc_bundles>
// kernel: kernel.4.cloned.1.call-start
scs
__scs_entry_jumppad:
0x0: {  	(pc) =	sbr.rel $0x88, $3  }
0x1: {  	(tag) =	ssettag $0x0;
	lr =	simm.s32 $0x1  }
0x2: {  	[smem:$0x3F9F] =	sst lr;
	_ =	strace $0xD0000000  }
0x3: {  	_ = 	snop  }
0x4: {  	_ = 	snop  }
0x5: {  	_ = 	snop  }
0x6: {  	_ = 	snop  }
0x7: {  	_ = 	snop  }
__scs_overlays_trampoline_lowered:
0x8: {  	[smem:$0x3FAE] =	sst s0  }
0x9: {  	[smem:$0x3FAF] =	sst s1  }
0xa: {  	[smem:$0x3FB0] =	sst s2  }
0xb: {  	[smem:$0x3FB1] =	sst s3  }
0xc: {  	[smem:$0x3FB2] =	sst s4  }
0xd: {  	[smem:$0x3FB3] =	sst s5  }
0xe: {  	[smem:$0x3FB4] =	sst s6  }
0xf: {  	[smem:$0x3FB5] =	sst s7  }
0x10: {  	[smem:$0x3FB6] =	sst s8  }
0x11: {  	[smem:$0x3FB7] =	sst s9;
	s0 =	simm.s32 @!p0 $0x0  }
0x12: {  	s1 =	sld [smem:$0x3F9D];
	s0 =	simm.s32 @p0 $0x1  }
0x13: {  	[smem:$0x3FB8] =	sst s0;
	s0 =	simm.s32 @!p1 $0x0  }
0x14: {  	s2 =	sld [smem:$0x3F9C];
	s0 =	simm.s32 @p1 $0x1  }
0x15: {  	[smem:$0x3FB9] =	sst s0;
	s0 =	simm.s32 @!p2 $0x0  }
0x16: {  	s3 =	sld [smem:$0x3FDB];
	s0 =	simm.s32 @p2 $0x1  }
0x17: {  	s4 =	simm.s32 $0x1BF5;
	[smem:$0x3FBB] =	sst s0  }
0x18: {  	s0 =	sld [smem:$0x3F9E];
	_ =	swait.ge [sflag:s4], $0x0  }
0x19: {  	s7 =	sld [smem:$0x3F9F]  }
0x1a: {  	s8 =	sadd.s32 $0xFFFFE003, lr  }
0x1b: {  	s9 =	sadd.s32 $0xFFFFFEF7, lr;
	s5 =	simm.s32 $0xFFFFFFFF;
	p2 =	slt.u32 s8, $0xFFFFF086  }
0x1c: {  	p1 =	slt.u32 s9, $0xF7A;
	s5 =	simm.s32 @!p2 $0x0  }
0x1d: {  	s5 =	simm.s32 @p1 $0x1;
	p0 =	seq.s32 s7, s2  }
0x1e: {  	s7 =	smul.u32 @!p0 $0xF7A, s2;
	p2 =	seq.s32 @!p0 s5, $0x0  }
0x1f: {  	s9 =	smul.u32 $0xF7A, s1;
	s8 =	simm.s32 @!p0 $0x1BF5;
	p2 =	por !p2, p0  }
0x20: {  	[sflag:s8] =	ssyncset.s32 @!p0 $0xFFFFF086;
	s6 =	sadd.s32 @!p0 s3, s7;
	s7 =	simm.s32 @!p0 $0x108  }
0x21: {  	s3 =	sadd.s32 s3, s9;
	s6 =	sadd.s32 @!p0 $0x88, s6;
	s7 =	simm.s32 @p2 $0x1082  }
0x22: {  	[simem:s7], [sflag:s8] =	dma.local @!p0 [hbm:s6], $0xF7A  }
0x23: {  	s9 =	sor.u32 $0xD0000000, s2;
	s6 =	simm.s32 $0x108;
	_ =	swait.ge @!p0 [sflag:s8], $0x0  }
0x24: {  	s3 =	sadd.s32 $0x88, s3;
	s6 =	simm.s32 @!p1 $0x1082;
	[sflag:s4] =	ssyncset.s32 $0xFFFFF086  }
0x25: {  	[simem:s6], [sflag:s4] =	dma.local [hbm:s3], $0xF7A  }
0x26: {  	[smem:$0x3F9F] =	sst s1;
	(tag) =	ssettag s2;
	_ =	strace s9  }
0x27: {  	s1 =	sld [smem:$0x3FAF]  }
0x28: {  	s2 =	sld [smem:$0x3FB0]  }
0x29: {  	s4 =	sld [smem:$0x3FB2]  }
0x2a: {  	p0 =	seq.s32 s5, $0x0;
	s5 =	sld [smem:$0x3FB3]  }
0x2b: {  	s6 =	sld [smem:$0x3FB4]  }
0x2c: {  	s7 =	sld [smem:$0x3FB5]  }
0x2d: {  	s3 =	simm.s32 $0x108;
	s8 =	sld [smem:$0x3FB6]  }
0x2e: {  	s3 =	simm.s32 @!p0 $0x1082;
	s9 =	sld [smem:$0x3FB7]  }
0x2f: {  	lr =	sadd.s32 s0, s3;
	s0 =	sld [smem:$0x3FAE]  }
0x30: {  	s3 =	sld [smem:$0x3FB1]  }
0x31: {  	[smem:$0x3FBA] =	sst s10  }
0x32: {  	s10 =	sld [smem:$0x3FB8];
	_ =	sdelay $0x3  }
0x33: {  	p0 =	seq.s32 s10, $0x1;
	s10 =	sld [smem:$0x3FBA];
	_ =	sdelay $0x3  }
0x34: {  	[smem:$0x3FBA] =	sst s10  }
0x35: {  	s10 =	sld [smem:$0x3FB9];
	_ =	sdelay $0x3  }
0x36: {  	p1 =	seq.s32 s10, $0x1;
	s10 =	sld [smem:$0x3FBA];
	_ =	sdelay $0x3  }
0x37: {  	[smem:$0x3FBA] =	sst s10  }
0x38: {  	s10 =	sld [smem:$0x3FBB]  }
0x39: {  	_ = 	snop;
	(pc) =	sbr.ind lr, $3  }
0x3a: {  	_ = 	snop  }
0x3b: {  	_ = 	snop  }
0x3c: {  	p2 =	seq.s32 s10, $0x1;
	s10 =	sld [smem:$0x3FBA]  }
0x3d: {  	_ =	shalt  }
0x3e: {  	_ =	shalt  }
0x3f: {  	_ =	shalt  }
0x40: {  	_ =	shalt  }
0x41: {  	_ =	shalt  }
0x42: {  	_ =	shalt  }
0x43: {  	_ =	shalt  }
0x44: {  	_ =	shalt  }
0x45: {  	_ =	shalt  }
0x46: {  	_ =	shalt  }
0x47: {  	_ =	shalt  }
0x48: {  	_ =	shalt  }
0x49: {  	_ =	shalt  }
0x4a: {  	_ =	shalt  }
0x4b: {  	_ =	shalt  }
0x4c: {  	_ =	shalt  }
0x4d: {  	_ =	shalt  }
0x4e: {  	_ =	shalt  }
0x4f: {  	_ =	shalt  }
0x50: {  	_ =	shalt  }
0x51: {  	_ =	shalt  }
0x52: {  	_ =	shalt  }
0x53: {  	_ =	shalt  }
0x54: {  	_ =	shalt  }
0x55: {  	_ =	shalt  }
0x56: {  	_ =	shalt  }
0x57: {  	_ =	shalt  }
0x58: {  	_ =	shalt  }
0x59: {  	_ =	shalt  }
0x5a: {  	_ =	shalt  }
0x5b: {  	_ =	shalt  }
0x5c: {  	_ =	shalt  }
0x5d: {  	_ =	shalt  }
0x5e: {  	_ =	shalt  }
0x5f: {  	_ =	shalt  }
0x60: {  	_ =	shalt  }
0x61: {  	_ =	shalt  }
0x62: {  	_ =	shalt  }
0x63: {  	_ =	shalt  }
0x64: {  	_ =	shalt  }
0x65: {  	_ =	shalt  }
0x66: {  	_ =	shalt  }
0x67: {  	_ =	shalt  }
0x68: {  	_ =	shalt  }
0x69: {  	_ =	shalt  }
0x6a: {  	_ =	shalt  }
0x6b: {  	_ =	shalt  }
0x6c: {  	_ =	shalt  }
0x6d: {  	_ =	shalt  }
0x6e: {  	_ =	shalt  }
0x6f: {  	_ =	shalt  }
0x70: {  	_ =	shalt  }
0x71: {  	_ =	shalt  }
0x72: {  	_ =	shalt  }
0x73: {  	_ =	shalt  }
0x74: {  	_ =	shalt  }
0x75: {  	_ =	shalt  }
0x76: {  	_ =	shalt  }
0x77: {  	_ =	shalt  }
0x78: {  	_ =	shalt  }
0x79: {  	_ =	shalt  }
0x7a: {  	_ =	shalt  }
0x7b: {  	_ =	shalt  }
0x7c: {  	_ =	shalt  }
0x7d: {  	_ =	shalt  }
0x7e: {  	_ =	shalt  }
0x7f: {  	_ =	shalt  }
0x80: {  	_ =	shalt  }
0x81: {  	_ =	shalt  }
0x82: {  	_ =	shalt  }
0x83: {  	_ =	shalt  }
0x84: {  	_ =	shalt  }
0x85: {  	_ =	shalt  }
0x86: {  	_ =	shalt  }
0x87: {  	_ =	shalt  }
.Lfunc_end0:
.L_simem_size_0:
called_computation_lowered:
.L_overlay_start_0:
0x88: {  	s2 =	sld [smem:$0x3FD9]  }
0x89: {  	s3 =	sld [smem:$0x3FFE];
	_ =	sdelay $0x1  }
0x8a: {  	s1 =	srdreg.scid  }
0x8b: {  	s0 =	sand.u32 $0x1, s1  }
0x8c: {  	s14 =	sshll.u32 s0, $0xA;
	s2 =	sadd.s32 s3, s2  }
0x8d: {  	s2 =	sadd.s32 s2, s14  }
0x8e: {  	[smem:$0x3FC6] =	sst s2  }
0x8f: {  	_ = 	snop  }
0x90: {  	s2 =	sld [smem:$0x3FD0];
	_ =	sdelay $0x2  }
0x91: {  	s15 =	simm.s32 $0xA;
	s4 =	simm.s32 $0x10  }
0x92: {  	[smem:s4], [sflag:s15] =	dma.local [hbm:s2], $0x1  }
0x93: {  	_ =	swait.eq [sflag:s15], $0x1  }
0x94: {  	s16 =	sld [smem:$0x10];
	[sflag:s15] =	ssyncset.done $0x0  }
0x95: {  	s17 =	sld [smem:$0x11];
	[sflag:s15] =	ssyncadd.s32 $0xFFFFFFFF  }
0x96: {  	s18 =	sld [smem:$0x12];
	(tm) =	ssettm $0x1  }
0x97: {  	s5 =	sld [smem:$0x3FFB];
	_ =	sdelay $0x3  }
0x98: {  	_ =	strace s5  }
0x99: {  	s5 =	sld [smem:$0x3FFC];
	_ =	sdelay $0x3  }
0x9a: {  	_ =	strace s5  }
0x9b: {  	s5 =	sld [smem:$0x3FFD];
	_ =	sdelay $0x3  }
0x9c: {  	_ =	strace s5  }
0x9d: {  	_ =	strace $0x8FFFFFFF  }
0x9e: {  	s19 =	sld [smem:$0x3FDB];
	_ =	sdelay $0x1  }
0x9f: {  	s6 =	simm.s32 $_scs_section_size  }
0xa0: {  	s7 =	simm.s32 $_size__tile_overlayer_lowered;
	s8 =	simm.s32 $_tile_overlayer_lowered  }
0xa1: {  	s22 =	simm.s32 $0x1BFF;
	s21 =	sshll.u32 s8, $0x1;
	s5 =	sadd.s32 s6, s19  }
0xa2: {  	s9 =	simm.s32 $0x0;
	s20 =	sshll.u32 s7, $0x1;
	s7 =	sadd.s32 s21, s5  }
0xa3: {  	[timem:s9], [sflag:s22] =	dma.local [hbm:s7], s20  }
0xa4: {  	_ =	swait.ge [sflag:s22], s20  }
0xa5: {  	s6 =	ssub.s32 $0x0, s20;
	[sflag:s22] =	ssyncset.done $0x0  }
0xa6: {  	[sflag:s22] =	ssyncadd.s32 s6;
	_ =	sdelay $0x1  }
0xa7: {  	s23 =	simm.s32 $0x1B8B  }
0xa8: {  	_ =	swait.ge [sflag:s23], $0x1  }
0xa9: {  	[sflag:s23] =	ssyncset.done $0x0  }
0xaa: {  	s25 =	simm.s32 $0x1B8E;
	s24 =	sld [smem:$0x3FFE];
	[sflag:s23] =	ssyncadd.s32 $0xFFFFFFFF  }
0xab: {  	s26 =	simm.s32 $execute0_lowered;
	[smem:$0x3FD2] =	sst s25  }
0xac: {  	s7 =	sshll.u32 s26, $0x1;
	_ =	strace $0x80000046;
	[dreg:$0x1] =	wrdreg $0xFFFFFFFF  }
0xad: {  	s28 =	simm.s32 $_size_execute0_lowered;
	s5 =	sadd.s32 s5, s7;
	[dreg:$0x0] =	wrdreg $0x0  }
0xae: {  	s7 =	sshll.u32 s28, $0x1;
	[dreg:$0x2] =	wrdreg s5  }
0xaf: {  	[dreg:$0x3] =	wrdreg s7  }
0xb0: {  	[dreg:$0x4] =	wrdreg $0xC0  }
0xb1: {  	_ =	task [dreg:s9], $0x5FFFF  }
0xb2: {  	[dreg:$0x1] =	wrdreg $0xFFFFFFFF  }
0xb3: {  	[dreg:$0x0] =	wrdreg $0x60  }
0xb4: {  	[dreg:$0x2] =	wrdreg s17  }
0xb5: {  	[dreg:$0x3] =	wrdreg s24  }
0xb6: {  	[dreg:$0x4] =	wrdreg s18  }
0xb7: {  	[dreg:$0x5] =	wrdreg s16  }
0xb8: {  	[dreg:$0x6] =	wrdreg $0x9  }
0xb9: {  	_ =	task.clear_ibuf [dreg:s9], $0x7FFFF;
	_ =	strace $0x90000046  }
0xba: {  	s29 =	simm.s32 $0x9;
	_ =	strace $0x80000048  }
0xbb: {  	_ =	swait.ge [sflag:s29], $0x1  }
0xbc: {  	[sflag:s29] =	ssyncadd.s32 $0xFFFFFFFF  }
0xbd: {  	_ =	strace $0x90000048  }
0xbe: {  	_ =	sfence  }
0xbf: {  	s30 =	sld [smem:$0x0];
	_ =	sdelay $0x2  }
0xc0: {  	s31 =	sshll.u32 s1, $0xD;
	s1 =	sshrl.u32 s1, $0x2  }
0xc1: {  	s3 =	sand.u32 $0x4000, s31;
	s1 =	sadd.s32 s1, s30  }
0xc2: {  	s0 =	sor.u32 s3, s0;
	s1 =	sshll.u32 s1, $0x11  }
0xc3: {  	s0 =	sor.u32 s1, s0  }
0xc4: {  	s0 =	sadd.s32 $0x8F2B, s0  }
0xc5: {  	[sflag:s0] =	ssyncadd.remote.s32 $0x1  }
0xc6: {  	_ =	sfence.sel $0xFFFF  }
0xc7: {  	[dreg:$0x0] =	wrdreg $0xFFFFFFFF;
	(pc) =	sbr.abs _section_cstart, $3  }
0xc8: {  	[dreg:$0x1] =	wrdreg $0xFFFFFFFF  }
0xc9: {  	_ =	task.clear_ibuf [dreg:s9], $0x2FFFF;
	_ =	strace $0x9FFFFFFF  }
0xca: {  	(tm) =	ssettm $0x7FFFFFFF  }
0xcb: {  	_ =	shalt  }
tec
execute0_lowered:
.L_overlay_start_1:
0x0: {  	(tag) =	ssettag $0x1  }
0x1: {  	s1 =	rddreg [dreg:$0x0]  }
0x2: {  	s5 =	rddreg [dreg:$0x1]  }
0x3: {  	s2 =	srdreg.scid;
	s8 =	rddreg [dreg:$0x2]  }
0x4: {  	s0 =	stileid.u32;
	s11 =	rddreg [dreg:$0x3]  }
0x5: {  	s3 =	simm.s32 $0x0;
	s13 =	simm.s32 $0x2490;
	s14 =	simm.s32 $0x1  }
0x6: {  	s4 =	sand.u32 $0x1, s2;
	s26 =	sshll.u32 s0, $0x1;
	s7 =	sshrl.u32 s0, $0x1  }
0x7: {  	s15 =	simm.s32 $0x4890;
	s6 =	sor.u32 s4, s26;
	s10 =	smul.u32 $0x240, s7  }
0x8: {  	s2 =	rddreg [dreg:$0x4];
	s7 =	smul.u32 $0x9000, s7;
	s9 =	sand.u32 $0x3, s6  }
0x9: {  	s16 =	simm.s32 $0x0;
	[smem:$0x7FF] =	sst s3;
	s12 =	smul.u32 $0x90, s9  }
0xa: {  	s4 =	ssub.s32 $0x2, s4;
	s6 =	sshll.u32 s6, $0x1;
	s9 =	smul.u32 $0x2400, s9  }
0xb: {  	_ =	strace $0x80000047;
	s29 =	sshrl.u32 s4, $0x1;
	s28 =	sadd.s32 s6, s5  }
0xc: {  	s31 =	ssub.s32 s4, s29;
	s10 =	sadd.s32 s10, s12;
	s30 =	sadd.s32 s7, s9  }
0xd: {  	s7 =	sadd.s32 $0xE00, s28;
	s9 =	simm.s32 $0x2;
	s10 =	sshrl.u32 s10, $0x3  }
0xe: {  	s12 =	simm.s32 $0x1290;
	s6 =	sshrl.u32 s30, $0x3;
	s10 =	sadd.s32 s10, s5  }
0xf: {  	s5 =	sadd.s32 s8, s6;
	s6 =	sadd.s32 s11, s6;
	s8 =	smax.u32 s31, $0x1  }
0x10: {  	s11 =	simm.s32 $0x90;
	s4 =	sadd.s32 $0xA00, s10;
	s10 =	simm.s32 $0x48  }
.LBB2_1:
0x11: {  	[tilespmem:s3], [sflag:$0x2] =	stream.linear.gather [hbm4b:s4+s3], $0x90, $0x38;
	[tilespmem:$0x48A0] =	vst v63  }
0x12: {  	_ =	swait.ge [sflag:s9], $0x90  }
0x13: {  	[sflag:s9] =	ssyncset.done $0x0  }
0x14: {  	[sflag:s9] =	ssyncadd.s32 $0xFFFFFF70  }
0x15: {  	[tilespmem:s11], [sflag:$0x1] =	stream.indirect.gather [hbm4b:s1+s10], $0x40, s3, s10, $0xb8;
	[tilespmem:$0x48A0] =	vst v63  }
0x16: {  	_ = 	snop  }
0x17: {  	[tilespmem:s12], [sflag:$0x1] =	stream.indirect.gather [hbm4b:s1+s10], $0x40, s10, s10, $0xb8;
	[tilespmem:$0x48A0] =	vst v63  }
0x18: {  	_ = 	snop  }
0x19: {  	[tilespmem:s13], [sflag:$0x2] =	stream.linear.gather [hbm4b:s5+s3], $0x2400, $0x38;
	[tilespmem:$0x48A0] =	vst v63  }
0x1a: {  	_ =	swait.ge [sflag:s9], $0x2400  }
0x1b: {  	[sflag:s9] =	ssyncset.done $0x0  }
0x1c: {  	[sflag:s9] =	ssyncadd.s32 $0xFFFFDC00  }
0x1d: {  	_ =	swait.ge [sflag:s14], $0x1200  }
0x1e: {  	[sflag:s14] =	ssyncset.done $0x0  }
0x1f: {  	[sflag:s14] =	ssyncadd.s32 $0xFFFFEE00  }
0x20: {  	_ =	swait.ge [sflag:s14], $0x1200  }
0x21: {  	[sflag:s14] =	ssyncset.done $0x0  }
0x22: {  	[sflag:s14] =	ssyncadd.s32 $0xFFFFEE00  }
0x23: {  	[hbm4b:s6+s3] =	stream.linear.scatter [tilespmem:s11], [sflag:$0x2], $0x2400, $0x38;
	[tilespmem:$0x48A0] =	vst v63  }
0x24: {  	_ =	swait.ge [sflag:s9], $0x2400  }
0x25: {  	[sflag:s9] =	ssyncset.done $0x0  }
0x26: {  	s18 =	simm.s32 $0x0;
	[sflag:s9] =	ssyncadd.s32 $0xFFFFDC00  }
0x27: {  	v0 =	vld [tilespmem:s18+$0x90]  }
0x28: {  	v2 =	vld [tilespmem:s18+$0x2490]  }
0x29: {  	v7 =	vld [tilespmem:s18+$0xA0]  }
0x2a: {  	v8 =	vld [tilespmem:s18+$0x24A0]  }
0x2b: {  	v1 =	vld [tilespmem:s18+$0xB0]  }
0x2c: {  	v4 =	vld [tilespmem:s18+$0x24B0]  }
0x2d: {  	v3 =	vld [tilespmem:s18+$0x24C0];
	v6 =	vsub.f32 v0, v2  }
0x2e: {  	s17 =	simm.s32 $0x40;
	v0 =	vld [tilespmem:s18+$0xC0]  }
0x2f: {  	v5 =	vimm.f32 $0.0e+00;
	v2 =	vld [tilespmem:s17+$0x90];
	s18 =	simm.s32 $0x200;
	v7 =	vsub.f32 v7, v8;
	v6 =	vmul.f32 v6, v6  }
.LBB2_2:
0x30: {  	p0 =	sne.s32 s18, $0x8F00;
	v8 =	vld [tilespmem:s17+$0x2490]  }
0x31: {  	v9 =	vld [tilespmem:s17+$0xA0];
	v5 =	vadd.f32 v6, v5;
	v6 =	vmul.f32 v7, v7;
	v4 =	vsub.f32 v1, v4  }
0x32: {  	v7 =	vld [tilespmem:s17+$0x24A0]  }
.Ltmp0:
0x33: {  	v1 =	vld [tilespmem:s17+$0xB0];
	v5 =	vadd.f32 v6, v5;
	v6 =	vmul.f32 v4, v4;
	v3 =	vsub.f32 v0, v3;
	(pc) =	sbr.rel @p0 .LBB2_2-.Ltmp0, $4  }
0x34: {  	v4 =	vld [tilespmem:s17+$0x24B0]  }
0x35: {  	v8 =	vsub.f32 v2, v8;
	v0 =	vld [tilespmem:s17+$0xC0];
	v5 =	vadd.f32 v6, v5;
	v10 =	vmul.f32 v3, v3  }
0x36: {  	v3 =	vld [tilespmem:s17+$0x24C0];
	s17 =	sshra.s32 s18, $0x2  }
0x37: {  	s18 =	sadd.s32 $0x100, s18;
	v2 =	vld [tilespmem:s17+$0x90];
	v6 =	vmul.f32 v8, v8;
	v7 =	vsub.f32 v9, v7;
	v5 =	vadd.f32 v10, v5  }
0x38: {  	v8 =	vld [tilespmem:s17+$0x2490]  }
0x39: {  	v9 =	vld [tilespmem:s17+$0xA0];
	v5 =	vadd.f32 v6, v5;
	v53 =	vmul.f32 v7, v7;
	v1 =	vsub.f32 v1, v4  }
0x3a: {  	v54 =	vld [tilespmem:s17+$0x24A0]  }
0x3b: {  	v55 =	vld [tilespmem:s17+$0xB0];
	v5 =	vadd.f32 v53, v5;
	v1 =	vmul.f32 v1, v1;
	v0 =	vsub.f32 v0, v3  }
0x3c: {  	v56 =	vld [tilespmem:s17+$0x24B0]  }
0x3d: {  	v57 =	vld [tilespmem:s17+$0xC0];
	v2 =	vsub.f32 v2, v8;
	v1 =	vadd.f32 v1, v5;
	v0 =	vmul.f32 v0, v0  }
0x3e: {  	v58 =	vld [tilespmem:s17+$0x24C0]  }
0x3f: {  	v4 =	vsub.f32 v9, v54;
	v2 =	vmul.f32 v2, v2;
	v0 =	vadd.f32 v0, v1;
	_ =	sdelay $0x1  }
0x40: {  	v60 =	vsub.f32 v55, v56;
	v59 =	vmul.f32 v4, v4;
	v0 =	vadd.f32 v2, v0;
	_ =	sdelay $0x1  }
0x41: {  	v62 =	vsub.f32 v57, v58;
	v61 =	vmul.f32 v60, v60;
	v0 =	vadd.f32 v59, v0;
	_ =	sdelay $0x1  }
0x42: {  	v63 =	vmul.f32 v62, v62;
	v0 =	vadd.f32 v61, v0;
	_ =	sdelay $0x1  }
0x43: {  	s16 =	sadd.s32 $0x1, s16;
	v0 =	vadd.f32 v63, v0  }
0x44: {  	p0 =	sne.s32 s16, s8  }
.Ltmp1:
0x45: {  	[tilespmem:$0x4890] =	vst v0;
	(pc) =	sbr.rel @p0 .LBB2_1-.Ltmp1, $4  }
0x46: {  	[hbm4b:s7+s3] =	stream.linear.scatter [tilespmem:s15], [sflag:$0x2], $0x10, $0x38;
	[tilespmem:$0x48A0] =	vst v63  }
0x47: {  	_ =	swait.ge [sflag:s9], $0x10  }
0x48: {  	[sflag:s9] =	ssyncset.done $0x0  }
0x49: {  	[sflag:s9] =	ssyncadd.s32 $0xFFFFFFF0  }
0x4a: {  	_ =	sfence.sel $0x180000  }
0x4b: {  	[bflag:$0x0] =	sbarrier.arrive $0xFFFF  }
0x4c: {  	p0 =	sne.s32 s0, $0x0;
	_ =	strace $0x90000047  }
0x4d: {  	s0 =	sadd.s32 @!p0 $0x100000, s2;
	[bflag:$0x2] =	sbarrier.arrive $0xFFFF  }
0x4e: {  	[sflag:s0] =	ssyncadd.tile.s32 @!p0 $0x1;
	_ =	shalt  }
.Lfunc_end2:
_tile_overlayer_lowered:
.L_overlay_start_2:
0x4f: {  	(tag) =	ssettag $0x2  }
0x50: {  	s0 =	rddreg [dreg:$0x0];
	s2 =	stileid.u32  }
0x51: {  	s1 =	rddreg [dreg:$0x1];
	p0 =	sne.s32 s2, $0x0  }
0x52: {  	s3 =	rddreg [dreg:$0x2];
	[bflag:$0x3] =	sbarrier.arrive $0xFFFF;
	s2 =	simm.s32 @!p0 $0x1C02  }
0x53: {  	[timem:s3], [sflag:s2] =	dma.local @!p0 [hbm:s0], s1  }
0x54: {  	s0 =	simm.s32 @!p0 $0x2  }
0x55: {  	_ =	swait.ge @!p0 [sflag:s0], s1  }
0x56: {  	s1 =	ssub.s32 @!p0 $0x0, s1;
	[sflag:s0] =	ssyncset.done @!p0 $0x0  }
0x57: {  	[sflag:s0] =	ssyncadd.s32 @!p0 s1  }
0x58: {  	[bflag:$0x3] =	sbarrier.arrive $0xFFFF  }
0x59: {  	_ =	shalt  }

</sc_bundles>
